<compile_context>
chip_gen: v7x
topology: tpu7x:2x2x1
jax: 0.10.2.dev20260603
libtpu: 0.0.44.dev20260713+nightly
codegen_flags: <defaults>
</compile_context>

<pallas_src>
import functools

import jax
import jax.numpy as jnp
from jax import lax
from jax.experimental import pallas as pl
from jax.experimental.pallas import tpu as pltpu
from jax.experimental.pallas import tpu_sc as plsc

BATCH = 16384
SEQ = 50
DIM = 65
PAD_DIM = 128
NUM_ROWS = BATCH * SEQ
NUM_WORKERS = 32
GROUP = 256
HALF = 128
GROUPS = NUM_ROWS // GROUP
Q_PER_W = GROUPS // NUM_WORKERS

PAD_BLK = 2000


def _pad_kernel(w_ref, o_ref):
    o_ref[:, :DIM] = w_ref[...]


def _tc_pad(weight):
    return pl.pallas_call(
        _pad_kernel,
        grid=(weight.shape[0] // PAD_BLK,),
        in_specs=[pl.BlockSpec((PAD_BLK, DIM), lambda i: (i, 0))],
        out_specs=pl.BlockSpec((PAD_BLK, PAD_DIM), lambda i: (i, 0)),
        out_shape=jax.ShapeDtypeStruct((weight.shape[0], PAD_DIM), jnp.float32),
    )(weight)


def _gather_kernel(idx_hbm, table_hbm, out_hbm, idx_v, rows0, rows1, sem):
    wid = lax.axis_index("s") * 2 + lax.axis_index("c")
    q0 = wid * Q_PER_W
    pltpu.sync_copy(idx_hbm.at[pl.ds(2 * q0, 2 * Q_PER_W)], idx_v)
    bufs = (rows0, rows1)

    def gather(q, buf):
        pltpu.async_copy(table_hbm.at[idx_v.at[2 * q]],
                         buf.at[pl.ds(0, HALF)], sem)
        pltpu.async_copy(table_hbm.at[idx_v.at[2 * q + 1]],
                         buf.at[pl.ds(HALF, HALF)], sem)

    def drain(buf):
        pltpu.make_async_copy(table_hbm.at[idx_v.at[0]],
                              buf.at[pl.ds(0, HALF)], sem).wait()
        pltpu.make_async_copy(table_hbm.at[idx_v.at[0]],
                              buf.at[pl.ds(HALF, HALF)], sem).wait()

    gather(0, rows0)

    def body(q2, _):
        for k in range(2):
            q = 2 * q2 + k
            buf = bufs[k]

            @pl.when(q + 1 < Q_PER_W)
            def _():
                gather(q + 1, bufs[1 - k])

            drain(buf)
            pltpu.sync_copy(buf, out_hbm.at[pl.ds((q0 + q) * GROUP, GROUP)])
        return 0

    lax.fori_loop(0, Q_PER_W // 2, body, 0)


def _sc_gather(idx, table):
    mesh = plsc.VectorSubcoreMesh(core_axis_name="c", subcore_axis_name="s")
    k = functools.partial(
        pl.kernel,
        mesh=mesh,
        out_type=jax.ShapeDtypeStruct((NUM_ROWS, PAD_DIM), jnp.float32),
        scratch_types=[
            pltpu.VMEM((2 * Q_PER_W, HALF), jnp.int32),
            pltpu.VMEM((GROUP, PAD_DIM), jnp.float32),
            pltpu.VMEM((GROUP, PAD_DIM), jnp.float32),
            pltpu.SemaphoreType.DMA,
        ],
    )(_gather_kernel)
    return k(idx, table)


def kernel(indices, weight):
    table = _tc_pad(weight.astype(jnp.float32))
    idx = indices.reshape(2 * GROUPS, HALF).astype(jnp.int32)
    slab = _sc_gather(idx, table)
    return slab[:, :DIM].reshape(BATCH, SEQ, DIM)

# --- scband reference (transcript-rebuilt; emitter-appended) ---
"""Pipeline reference for scband-lorentz-embedding-56573309223544 (READ-ONLY COPY).

The authoritative reference and input builder live on the scoring server;
editing this copy changes nothing except your own understanding.
"""

import jax, jax.numpy as jnp
import numpy as np

NUM_EMBEDDINGS = 1000000
EMBEDDING_DIM = 64


def setup_inputs(seed: int = 0) -> dict:
    key = jax.random.key(seed)
    k_idx, k_w = jax.random.split(key)
    indices = jax.random.randint(k_idx, (16384, 50), 0, NUM_EMBEDDINGS, dtype=jnp.int64 if jax.config.jax_enable_x64 else jnp.int32)
    # init weights per LorentzEmbedding._init_weights
    weight = jax.random.uniform(k_w, (NUM_EMBEDDINGS, EMBEDDING_DIM + 1), dtype=jnp.float32, minval=-0.001, maxval=0.001)
    x0 = jnp.sqrt(1.0 + jnp.sum(weight[:, 1:] ** 2, axis=-1))
    weight = weight.at[:, 0].set(x0)
    return {"indices": indices, "weight": weight}


def reference(indices, weight):
    # forward: self.weight[indices]
    return jnp.take(weight, indices, axis=0)

if __name__ == "__main__":
    import jax
    _d = setup_inputs()
    print(jax.jit(kernel)(*tuple(_d.values())))

</pallas_src>

<mosaic_0001>
#map = affine_map<(d0, d1) -> (0, 0)>
module attributes {stable_mosaic.version = 14 : i64} {
  func.func @_gather_kernel(%arg0: i32, %arg1: i32, %arg2: memref<6400x128xi32, #tpu.memory_space<hbm>>, %arg3: memref<1000000x128xf32, #tpu.memory_space<hbm>>, %arg4: memref<819200x128xf32, #tpu.memory_space<hbm>>, %arg5: memref<200x128xi32, #tpu.memory_space<vmem>>, %arg6: memref<256x128xf32, #tpu.memory_space<vmem>>, %arg7: memref<256x128xf32, #tpu.memory_space<vmem>>, %arg8: memref<!tpu.dma_semaphore, #tpu.memory_space<semaphore_mem>>) attributes {dimension_semantics = [#tpu.dimension_semantics<core_parallel>, #tpu.dimension_semantics<subcore_parallel>], iteration_bounds = array<i64: 2, 16>, scalar_prefetch = 0 : i64, scratch_operands = 4 : i64, tpu.core_type = #tpu.core_type<sc_vector_subcore>, window_params = [{transform_indices = #map}, {transform_indices = #map}, {transform_indices = #map}]} {
    %mul3A = arith.constant 2 : i32
    %mul3A_0 = arith.muli %arg1, %mul3A : i32
    %add3A = arith.addi %mul3A_0, %arg0 : i32
    %mul3A_1 = arith.constant 100 : i32
    %mul3A_2 = arith.muli %add3A, %mul3A_1 : i32
    %mul3A_3 = arith.constant 2 : i32
    %mul3A_4 = arith.muli %mul3A_3, %mul3A_2 : i32
    "tpu.region"() ({
      %run_scoped3A = tpu.sem_alloc : memref<!tpu.dma_semaphore, #tpu.memory_space<semaphore_mem>>
      %dma_start3A_30 = arith.constant 0 : i32
      %dma_start3A_31 = tpu.memref_slice %arg2[%mul3A_4, %dma_start3A_30] : memref<6400x128xi32, #tpu.memory_space<hbm>> -> memref<200x128xi32, #tpu.memory_space<hbm>>
      %dma_start3A_32 = arith.constant 0 : i32
      %dma_start3A_33 = tpu.memref_slice %arg2[%mul3A_4, %dma_start3A_32] : memref<6400x128xi32, #tpu.memory_space<hbm>> -> memref<200x128xi32, #tpu.memory_space<hbm>>
      tpu.enqueue_dma source(%dma_start3A_33 : memref<200x128xi32, #tpu.memory_space<hbm>>) target(%arg5 : memref<200x128xi32, #tpu.memory_space<vmem>>) target_semaphore(%run_scoped3A : memref<!tpu.dma_semaphore, #tpu.memory_space<semaphore_mem>>)
      %dma_wait3A = arith.constant 0 : i32
      %dma_wait3A_34 = tpu.memref_slice %arg2[%mul3A_4, %dma_wait3A] : memref<6400x128xi32, #tpu.memory_space<hbm>> -> memref<200x128xi32, #tpu.memory_space<hbm>>
      %dma_wait3A_35 = arith.constant 0 : i32
      %dma_wait3A_36 = tpu.memref_slice %arg2[%mul3A_4, %dma_wait3A_35] : memref<6400x128xi32, #tpu.memory_space<hbm>> -> memref<200x128xi32, #tpu.memory_space<hbm>>
      tpu.wait_dma2 semaphore(%run_scoped3A : memref<!tpu.dma_semaphore, #tpu.memory_space<semaphore_mem>>) src(%dma_wait3A_36 : memref<200x128xi32, #tpu.memory_space<hbm>>) dst(%arg5 : memref<200x128xi32, #tpu.memory_space<vmem>>)
      tpu.yield
    }) : () -> ()
    %dma_start3A = arith.constant 0 : i32
    %dma_start3A_5 = arith.constant 0 : i32
    %dma_start3A_6 = arith.constant 0 : i32
    %dma_start3A_7 = tpu.memref_slice %arg6[%dma_start3A_5, %dma_start3A_6] : memref<256x128xf32, #tpu.memory_space<vmem>> -> memref<128x128xf32, #tpu.memory_space<vmem>>
    %dma_start3A_8 = arith.constant 0 : i32
    %dma_start3A_9 = tpu.memref_slice %arg5[%dma_start3A, %dma_start3A_8] : memref<200x128xi32, #tpu.memory_space<vmem>> -> memref<1x128xi32, #tpu.memory_space<vmem>>
    %dma_start3A_10 = tpu.memref_squeeze %dma_start3A_9 : memref<1x128xi32, #tpu.memory_space<vmem>> -> memref<128xi32, #tpu.memory_space<vmem>>
    %dma_start3A_11 = arith.constant 0 : i32
    %dma_start3A_12 = arith.constant 0 : i32
    %dma_start3A_13 = tpu.memref_slice %arg3[%dma_start3A_11, %dma_start3A_12] : memref<1000000x128xf32, #tpu.memory_space<hbm>> -> memref<1000000x128xf32, #tpu.memory_space<hbm>>
    tpu.enqueue_indirect_dma source(%dma_start3A_13 : memref<1000000x128xf32, #tpu.memory_space<hbm>>) target(%dma_start3A_7 : memref<128x128xf32, #tpu.memory_space<vmem>>) offsets(%dma_start3A_10 : memref<128xi32, #tpu.memory_space<vmem>>) semaphore(%arg8 : memref<!tpu.dma_semaphore, #tpu.memory_space<semaphore_mem>>)
    %dma_start3A_14 = arith.constant 1 : i32
    %dma_start3A_15 = arith.constant 128 : i32
    %dma_start3A_16 = arith.constant 0 : i32
    %dma_start3A_17 = tpu.memref_slice %arg6[%dma_start3A_15, %dma_start3A_16] : memref<256x128xf32, #tpu.memory_space<vmem>> -> memref<128x128xf32, #tpu.memory_space<vmem>>
    %dma_start3A_18 = arith.constant 0 : i32
    %dma_start3A_19 = tpu.memref_slice %arg5[%dma_start3A_14, %dma_start3A_18] : memref<200x128xi32, #tpu.memory_space<vmem>> -> memref<1x128xi32, #tpu.memory_space<vmem>>
    %dma_start3A_20 = tpu.memref_squeeze %dma_start3A_19 : memref<1x128xi32, #tpu.memory_space<vmem>> -> memref<128xi32, #tpu.memory_space<vmem>>
    %dma_start3A_21 = arith.constant 0 : i32
    %dma_start3A_22 = arith.constant 0 : i32
    %dma_start3A_23 = tpu.memref_slice %arg3[%dma_start3A_21, %dma_start3A_22] : memref<1000000x128xf32, #tpu.memory_space<hbm>> -> memref<1000000x128xf32, #tpu.memory_space<hbm>>
    tpu.enqueue_indirect_dma source(%dma_start3A_23 : memref<1000000x128xf32, #tpu.memory_space<hbm>>) target(%dma_start3A_17 : memref<128x128xf32, #tpu.memory_space<vmem>>) offsets(%dma_start3A_20 : memref<128xi32, #tpu.memory_space<vmem>>) semaphore(%arg8 : memref<!tpu.dma_semaphore, #tpu.memory_space<semaphore_mem>>)
    %scan3A = arith.constant 0 : i32
    %scan3A_24 = arith.constant 0 : i32
    %scan3A_25 = arith.constant 50 : i32
    %scan3A_26 = arith.addi %scan3A_24, %scan3A_25 : i32
    %scan3A_27 = arith.constant 1 : i32
    %scan3A_28 = scf.for %scan3A_30 = %scan3A_24 to %scan3A_26 step %scan3A_27 iter_args(%scan3A_31 = %scan3A) -> (i32)  : i32 {
      %mul3A_32 = arith.constant 2 : i32
      %mul3A_33 = arith.muli %mul3A_32, %scan3A_30 : i32
      %add3A_34 = arith.constant 0 : i32
      %add3A_35 = arith.addi %mul3A_33, %add3A_34 : i32
      %add3A_36 = arith.constant 1 : i32
      %add3A_37 = arith.addi %add3A_35, %add3A_36 : i32
      %lt3A = arith.constant 100 : i32
      %lt3A_38 = arith.cmpi slt, %add3A_37, %lt3A : i32
      %convert_element_type3A = arith.extui %lt3A_38 : i1 to i32
      %cond3A = arith.constant 0 : i32
      %cond3A_39 = arith.cmpi ne, %convert_element_type3A, %cond3A : i32
      scf.if %cond3A_39 {
        %add3A_97 = arith.constant 1 : i32
        %add3A_98 = arith.addi %add3A_35, %add3A_97 : i32
        %mul3A_99 = arith.constant 2 : i32
        %mul3A_100 = arith.muli %mul3A_99, %add3A_98 : i32
        %dma_start3A_101 = arith.constant 0 : i32
        %dma_start3A_102 = arith.constant 0 : i32
        %dma_start3A_103 = tpu.memref_slice %arg7[%dma_start3A_101, %dma_start3A_102] : memref<256x128xf32, #tpu.memory_space<vmem>> -> memref<128x128xf32, #tpu.memory_space<vmem>>
        %dma_start3A_104 = arith.constant 0 : i32
        %dma_start3A_105 = tpu.memref_slice %arg5[%mul3A_100, %dma_start3A_104] : memref<200x128xi32, #tpu.memory_space<vmem>> -> memref<1x128xi32, #tpu.memory_space<vmem>>
        %dma_start3A_106 = tpu.memref_squeeze %dma_start3A_105 : memref<1x128xi32, #tpu.memory_space<vmem>> -> memref<128xi32, #tpu.memory_space<vmem>>
        %dma_start3A_107 = arith.constant 0 : i32
        %dma_start3A_108 = arith.constant 0 : i32
        %dma_start3A_109 = tpu.memref_slice %arg3[%dma_start3A_107, %dma_start3A_108] : memref<1000000x128xf32, #tpu.memory_space<hbm>> -> memref<1000000x128xf32, #tpu.memory_space<hbm>>
        tpu.enqueue_indirect_dma source(%dma_start3A_109 : memref<1000000x128xf32, #tpu.memory_space<hbm>>) target(%dma_start3A_103 : memref<128x128xf32, #tpu.memory_space<vmem>>) offsets(%dma_start3A_106 : memref<128xi32, #tpu.memory_space<vmem>>) semaphore(%arg8 : memref<!tpu.dma_semaphore, #tpu.memory_space<semaphore_mem>>)
        %mul3A_110 = arith.constant 2 : i32
        %mul3A_111 = arith.muli %mul3A_110, %add3A_98 : i32
        %add3A_112 = arith.constant 1 : i32
        %add3A_113 = arith.addi %mul3A_111, %add3A_112 : i32
        %dma_start3A_114 = arith.constant 128 : i32
        %dma_start3A_115 = arith.constant 0 : i32
        %dma_start3A_116 = tpu.memref_slice %arg7[%dma_start3A_114, %dma_start3A_115] : memref<256x128xf32, #tpu.memory_space<vmem>> -> memref<128x128xf32, #tpu.memory_space<vmem>>
        %dma_start3A_117 = arith.constant 0 : i32
        %dma_start3A_118 = tpu.memref_slice %arg5[%add3A_113, %dma_start3A_117] : memref<200x128xi32, #tpu.memory_space<vmem>> -> memref<1x128xi32, #tpu.memory_space<vmem>>
        %dma_start3A_119 = tpu.memref_squeeze %dma_start3A_118 : memref<1x128xi32, #tpu.memory_space<vmem>> -> memref<128xi32, #tpu.memory_space<vmem>>
        %dma_start3A_120 = arith.constant 0 : i32
        %dma_start3A_121 = arith.constant 0 : i32
        %dma_start3A_122 = tpu.memref_slice %arg3[%dma_start3A_120, %dma_start3A_121] : memref<1000000x128xf32, #tpu.memory_space<hbm>> -> memref<1000000x128xf32, #tpu.memory_space<hbm>>
        tpu.enqueue_indirect_dma source(%dma_start3A_122 : memref<1000000x128xf32, #tpu.memory_space<hbm>>) target(%dma_start3A_116 : memref<128x128xf32, #tpu.memory_space<vmem>>) offsets(%dma_start3A_119 : memref<128xi32, #tpu.memory_space<vmem>>) semaphore(%arg8 : memref<!tpu.dma_semaphore, #tpu.memory_space<semaphore_mem>>)
      } else {
      }
      %dma_wait3A = arith.constant 0 : i32
      %dma_wait3A_40 = arith.constant 0 : i32
      %dma_wait3A_41 = arith.constant 0 : i32
      %dma_wait3A_42 = tpu.memref_slice %arg6[%dma_wait3A_40, %dma_wait3A_41] : memref<256x128xf32, #tpu.memory_space<vmem>> -> memref<128x128xf32, #tpu.memory_space<vmem>>
      %dma_wait3A_43 = arith.constant 0 : i32
      %dma_wait3A_44 = tpu.memref_slice %arg5[%dma_wait3A, %dma_wait3A_43] : memref<200x128xi32, #tpu.memory_space<vmem>> -> memref<1x128xi32, #tpu.memory_space<vmem>>
      %dma_wait3A_45 = tpu.memref_squeeze %dma_wait3A_44 : memref<1x128xi32, #tpu.memory_space<vmem>> -> memref<128xi32, #tpu.memory_space<vmem>>
      %dma_wait3A_46 = arith.constant 0 : i32
      %dma_wait3A_47 = arith.constant 0 : i32
      %dma_wait3A_48 = tpu.memref_slice %arg3[%dma_wait3A_46, %dma_wait3A_47] : memref<1000000x128xf32, #tpu.memory_space<hbm>> -> memref<1000000x128xf32, #tpu.memory_space<hbm>>
      tpu.wait_indirect_dma semaphore(%arg8 : memref<!tpu.dma_semaphore, #tpu.memory_space<semaphore_mem>>) src(%dma_wait3A_48 : memref<1000000x128xf32, #tpu.memory_space<hbm>>) dst(%dma_wait3A_42 : memref<128x128xf32, #tpu.memory_space<vmem>>)
      %dma_wait3A_49 = arith.constant 0 : i32
      %dma_wait3A_50 = arith.constant 128 : i32
      %dma_wait3A_51 = arith.constant 0 : i32
      %dma_wait3A_52 = tpu.memref_slice %arg6[%dma_wait3A_50, %dma_wait3A_51] : memref<256x128xf32, #tpu.memory_space<vmem>> -> memref<128x128xf32, #tpu.memory_space<vmem>>
      %dma_wait3A_53 = arith.constant 0 : i32
      %dma_wait3A_54 = tpu.memref_slice %arg5[%dma_wait3A_49, %dma_wait3A_53] : memref<200x128xi32, #tpu.memory_space<vmem>> -> memref<1x128xi32, #tpu.memory_space<vmem>>
      %dma_wait3A_55 = tpu.memref_squeeze %dma_wait3A_54 : memref<1x128xi32, #tpu.memory_space<vmem>> -> memref<128xi32, #tpu.memory_space<vmem>>
      %dma_wait3A_56 = arith.constant 0 : i32
      %dma_wait3A_57 = arith.constant 0 : i32
      %dma_wait3A_58 = tpu.memref_slice %arg3[%dma_wait3A_56, %dma_wait3A_57] : memref<1000000x128xf32, #tpu.memory_space<hbm>> -> memref<1000000x128xf32, #tpu.memory_space<hbm>>
      tpu.wait_indirect_dma semaphore(%arg8 : memref<!tpu.dma_semaphore, #tpu.memory_space<semaphore_mem>>) src(%dma_wait3A_58 : memref<1000000x128xf32, #tpu.memory_space<hbm>>) dst(%dma_wait3A_52 : memref<128x128xf32, #tpu.memory_space<vmem>>)
      %add3A_59 = arith.addi %mul3A_2, %add3A_35 : i32
      %mul3A_60 = arith.constant 256 : i32
      %mul3A_61 = arith.muli %add3A_59, %mul3A_60 : i32
      "tpu.region"() ({
        %run_scoped3A = tpu.sem_alloc : memref<!tpu.dma_semaphore, #tpu.memory_space<semaphore_mem>>
        %dma_start3A_97 = arith.constant 0 : i32
        %dma_start3A_98 = tpu.memref_slice %arg4[%mul3A_61, %dma_start3A_97] : memref<819200x128xf32, #tpu.memory_space<hbm>> -> memref<256x128xf32, #tpu.memory_space<hbm>>
        %dma_start3A_99 = arith.constant 0 : i32
        %dma_start3A_100 = tpu.memref_slice %arg4[%mul3A_61, %dma_start3A_99] : memref<819200x128xf32, #tpu.memory_space<hbm>> -> memref<256x128xf32, #tpu.memory_space<hbm>>
        tpu.enqueue_dma source(%arg6 : memref<256x128xf32, #tpu.memory_space<vmem>>) target(%dma_start3A_100 : memref<256x128xf32, #tpu.memory_space<hbm>>) target_semaphore(%run_scoped3A : memref<!tpu.dma_semaphore, #tpu.memory_space<semaphore_mem>>)
        %dma_wait3A_101 = arith.constant 0 : i32
        %dma_wait3A_102 = tpu.memref_slice %arg4[%mul3A_61, %dma_wait3A_101] : memref<819200x128xf32, #tpu.memory_space<hbm>> -> memref<256x128xf32, #tpu.memory_space<hbm>>
        %dma_wait3A_103 = arith.constant 0 : i32
        %dma_wait3A_104 = tpu.memref_slice %arg4[%mul3A_61, %dma_wait3A_103] : memref<819200x128xf32, #tpu.memory_space<hbm>> -> memref<256x128xf32, #tpu.memory_space<hbm>>
        tpu.wait_dma2 semaphore(%run_scoped3A : memref<!tpu.dma_semaphore, #tpu.memory_space<semaphore_mem>>) src(%arg6 : memref<256x128xf32, #tpu.memory_space<vmem>>) dst(%dma_wait3A_104 : memref<256x128xf32, #tpu.memory_space<hbm>>)
        tpu.yield
      }) : () -> ()
      %mul3A_62 = arith.constant 2 : i32
      %mul3A_63 = arith.muli %mul3A_62, %scan3A_30 : i32
      %add3A_64 = arith.constant 1 : i32
      %add3A_65 = arith.addi %mul3A_63, %add3A_64 : i32
      %add3A_66 = arith.constant 1 : i32
      %add3A_67 = arith.addi %add3A_65, %add3A_66 : i32
      %lt3A_68 = arith.constant 100 : i32
      %lt3A_69 = arith.cmpi slt, %add3A_67, %lt3A_68 : i32
      %convert_element_type3A_70 = arith.extui %lt3A_69 : i1 to i32
      %cond3A_71 = arith.constant 0 : i32
      %cond3A_72 = arith.cmpi ne, %convert_element_type3A_70, %cond3A_71 : i32
      scf.if %cond3A_72 {
        %add3A_97 = arith.constant 1 : i32
        %add3A_98 = arith.addi %add3A_65, %add3A_97 : i32
        %mul3A_99 = arith.constant 2 : i32
        %mul3A_100 = arith.muli %mul3A_99, %add3A_98 : i32
        %dma_start3A_101 = arith.constant 0 : i32
        %dma_start3A_102 = arith.constant 0 : i32
        %dma_start3A_103 = tpu.memref_slice %arg6[%dma_start3A_101, %dma_start3A_102] : memref<256x128xf32, #tpu.memory_space<vmem>> -> memref<128x128xf32, #tpu.memory_space<vmem>>
        %dma_start3A_104 = arith.constant 0 : i32
        %dma_start3A_105 = tpu.memref_slice %arg5[%mul3A_100, %dma_start3A_104] : memref<200x128xi32, #tpu.memory_space<vmem>> -> memref<1x128xi32, #tpu.memory_space<vmem>>
        %dma_start3A_106 = tpu.memref_squeeze %dma_start3A_105 : memref<1x128xi32, #tpu.memory_space<vmem>> -> memref<128xi32, #tpu.memory_space<vmem>>
        %dma_start3A_107 = arith.constant 0 : i32
        %dma_start3A_108 = arith.constant 0 : i32
        %dma_start3A_109 = tpu.memref_slice %arg3[%dma_start3A_107, %dma_start3A_108] : memref<1000000x128xf32, #tpu.memory_space<hbm>> -> memref<1000000x128xf32, #tpu.memory_space<hbm>>
        tpu.enqueue_indirect_dma source(%dma_start3A_109 : memref<1000000x128xf32, #tpu.memory_space<hbm>>) target(%dma_start3A_103 : memref<128x128xf32, #tpu.memory_space<vmem>>) offsets(%dma_start3A_106 : memref<128xi32, #tpu.memory_space<vmem>>) semaphore(%arg8 : memref<!tpu.dma_semaphore, #tpu.memory_space<semaphore_mem>>)
        %mul3A_110 = arith.constant 2 : i32
        %mul3A_111 = arith.muli %mul3A_110, %add3A_98 : i32
        %add3A_112 = arith.constant 1 : i32
        %add3A_113 = arith.addi %mul3A_111, %add3A_112 : i32
        %dma_start3A_114 = arith.constant 128 : i32
        %dma_start3A_115 = arith.constant 0 : i32
        %dma_start3A_116 = tpu.memref_slice %arg6[%dma_start3A_114, %dma_start3A_115] : memref<256x128xf32, #tpu.memory_space<vmem>> -> memref<128x128xf32, #tpu.memory_space<vmem>>
        %dma_start3A_117 = arith.constant 0 : i32
        %dma_start3A_118 = tpu.memref_slice %arg5[%add3A_113, %dma_start3A_117] : memref<200x128xi32, #tpu.memory_space<vmem>> -> memref<1x128xi32, #tpu.memory_space<vmem>>
        %dma_start3A_119 = tpu.memref_squeeze %dma_start3A_118 : memref<1x128xi32, #tpu.memory_space<vmem>> -> memref<128xi32, #tpu.memory_space<vmem>>
        %dma_start3A_120 = arith.constant 0 : i32
        %dma_start3A_121 = arith.constant 0 : i32
        %dma_start3A_122 = tpu.memref_slice %arg3[%dma_start3A_120, %dma_start3A_121] : memref<1000000x128xf32, #tpu.memory_space<hbm>> -> memref<1000000x128xf32, #tpu.memory_space<hbm>>
        tpu.enqueue_indirect_dma source(%dma_start3A_122 : memref<1000000x128xf32, #tpu.memory_space<hbm>>) target(%dma_start3A_116 : memref<128x128xf32, #tpu.memory_space<vmem>>) offsets(%dma_start3A_119 : memref<128xi32, #tpu.memory_space<vmem>>) semaphore(%arg8 : memref<!tpu.dma_semaphore, #tpu.memory_space<semaphore_mem>>)
      } else {
      }
      %dma_wait3A_73 = arith.constant 0 : i32
      %dma_wait3A_74 = arith.constant 0 : i32
      %dma_wait3A_75 = arith.constant 0 : i32
      %dma_wait3A_76 = tpu.memref_slice %arg7[%dma_wait3A_74, %dma_wait3A_75] : memref<256x128xf32, #tpu.memory_space<vmem>> -> memref<128x128xf32, #tpu.memory_space<vmem>>
      %dma_wait3A_77 = arith.constant 0 : i32
      %dma_wait3A_78 = tpu.memref_slice %arg5[%dma_wait3A_73, %dma_wait3A_77] : memref<200x128xi32, #tpu.memory_space<vmem>> -> memref<1x128xi32, #tpu.memory_space<vmem>>
      %dma_wait3A_79 = tpu.memref_squeeze %dma_wait3A_78 : memref<1x128xi32, #tpu.memory_space<vmem>> -> memref<128xi32, #tpu.memory_space<vmem>>
      %dma_wait3A_80 = arith.constant 0 : i32
      %dma_wait3A_81 = arith.constant 0 : i32
      %dma_wait3A_82 = tpu.memref_slice %arg3[%dma_wait3A_80, %dma_wait3A_81] : memref<1000000x128xf32, #tpu.memory_space<hbm>> -> memref<1000000x128xf32, #tpu.memory_space<hbm>>
      tpu.wait_indirect_dma semaphore(%arg8 : memref<!tpu.dma_semaphore, #tpu.memory_space<semaphore_mem>>) src(%dma_wait3A_82 : memref<1000000x128xf32, #tpu.memory_space<hbm>>) dst(%dma_wait3A_76 : memref<128x128xf32, #tpu.memory_space<vmem>>)
      %dma_wait3A_83 = arith.constant 0 : i32
      %dma_wait3A_84 = arith.constant 128 : i32
      %dma_wait3A_85 = arith.constant 0 : i32
      %dma_wait3A_86 = tpu.memref_slice %arg7[%dma_wait3A_84, %dma_wait3A_85] : memref<256x128xf32, #tpu.memory_space<vmem>> -> memref<128x128xf32, #tpu.memory_space<vmem>>
      %dma_wait3A_87 = arith.constant 0 : i32
      %dma_wait3A_88 = tpu.memref_slice %arg5[%dma_wait3A_83, %dma_wait3A_87] : memref<200x128xi32, #tpu.memory_space<vmem>> -> memref<1x128xi32, #tpu.memory_space<vmem>>
      %dma_wait3A_89 = tpu.memref_squeeze %dma_wait3A_88 : memref<1x128xi32, #tpu.memory_space<vmem>> -> memref<128xi32, #tpu.memory_space<vmem>>
      %dma_wait3A_90 = arith.constant 0 : i32
      %dma_wait3A_91 = arith.constant 0 : i32
      %dma_wait3A_92 = tpu.memref_slice %arg3[%dma_wait3A_90, %dma_wait3A_91] : memref<1000000x128xf32, #tpu.memory_space<hbm>> -> memref<1000000x128xf32, #tpu.memory_space<hbm>>
      tpu.wait_indirect_dma semaphore(%arg8 : memref<!tpu.dma_semaphore, #tpu.memory_space<semaphore_mem>>) src(%dma_wait3A_92 : memref<1000000x128xf32, #tpu.memory_space<hbm>>) dst(%dma_wait3A_86 : memref<128x128xf32, #tpu.memory_space<vmem>>)
      %add3A_93 = arith.addi %mul3A_2, %add3A_65 : i32
      %mul3A_94 = arith.constant 256 : i32
      %mul3A_95 = arith.muli %add3A_93, %mul3A_94 : i32
      "tpu.region"() ({
        %run_scoped3A = tpu.sem_alloc : memref<!tpu.dma_semaphore, #tpu.memory_space<semaphore_mem>>
        %dma_start3A_97 = arith.constant 0 : i32
        %dma_start3A_98 = tpu.memref_slice %arg4[%mul3A_95, %dma_start3A_97] : memref<819200x128xf32, #tpu.memory_space<hbm>> -> memref<256x128xf32, #tpu.memory_space<hbm>>
        %dma_start3A_99 = arith.constant 0 : i32
        %dma_start3A_100 = tpu.memref_slice %arg4[%mul3A_95, %dma_start3A_99] : memref<819200x128xf32, #tpu.memory_space<hbm>> -> memref<256x128xf32, #tpu.memory_space<hbm>>
        tpu.enqueue_dma source(%arg7 : memref<256x128xf32, #tpu.memory_space<vmem>>) target(%dma_start3A_100 : memref<256x128xf32, #tpu.memory_space<hbm>>) target_semaphore(%run_scoped3A : memref<!tpu.dma_semaphore, #tpu.memory_space<semaphore_mem>>)
        %dma_wait3A_101 = arith.constant 0 : i32
        %dma_wait3A_102 = tpu.memref_slice %arg4[%mul3A_95, %dma_wait3A_101] : memref<819200x128xf32, #tpu.memory_space<hbm>> -> memref<256x128xf32, #tpu.memory_space<hbm>>
        %dma_wait3A_103 = arith.constant 0 : i32
        %dma_wait3A_104 = tpu.memref_slice %arg4[%mul3A_95, %dma_wait3A_103] : memref<819200x128xf32, #tpu.memory_space<hbm>> -> memref<256x128xf32, #tpu.memory_space<hbm>>
        tpu.wait_dma2 semaphore(%run_scoped3A : memref<!tpu.dma_semaphore, #tpu.memory_space<semaphore_mem>>) src(%arg7 : memref<256x128xf32, #tpu.memory_space<vmem>>) dst(%dma_wait3A_104 : memref<256x128xf32, #tpu.memory_space<hbm>>)
        tpu.yield
      }) : () -> ()
      %scan3A_96 = arith.constant 0 : i32
      scf.yield %scan3A_96 : i32
    }
    %scan3A_29 = arith.constant 50 : i32
    return
  }
}

module attributes {stable_mosaic.version = 14 : i64} {
  func.func @_pad_kernel(%arg0: i32, %arg1: memref<2000x65xf32, #tpu.memory_space<vmem>>, %arg2: memref<2000x128xf32, #tpu.memory_space<vmem>>) attributes {dimension_semantics = [#tpu.dimension_semantics<arbitrary>], iteration_bounds = array<i64: 500>, scalar_prefetch = 0 : i64, scratch_operands = 0 : i64, tpu.core_type = #tpu.core_type<tc>, window_params = [{transform_indices = @transform_0, window_bounds = array<i64: 2000, 65>}, {transform_indices = @transform_1, window_bounds = array<i64: 2000, 128>}]} {
    %get3A = arith.constant 0 : index
    %get3A_0 = arith.constant 0 : index
    %get3A_1 = vector.load %arg1[%get3A, %get3A_0] : memref<2000x65xf32, #tpu.memory_space<vmem>>, vector<2000x65xf32>
    %swap3A = arith.constant 0 : index
    %swap3A_2 = arith.constant 0 : index
    %swap3A_3 = vector.load %arg2[%swap3A, %swap3A_2] : memref<2000x128xf32, #tpu.memory_space<vmem>>, vector<2000x65xf32>
    tpu.vector_store %arg2[%swap3A, %swap3A_2], %get3A_1 {strides = array<i32>} : memref<2000x128xf32, #tpu.memory_space<vmem>>, vector<2000x65xf32>,
    return
  }
  func.func @transform_0(%arg0: i32) -> (i32, i32) {
    %c0_i32 = arith.constant 0 : i32
    %c0_i32_0 = arith.constant 0 : i32
    return %arg0, %c0_i32 : i32, i32
  }
  func.func @transform_1(%arg0: i32) -> (i32, i32) {
    %c0_i32 = arith.constant 0 : i32
    %c0_i32_0 = arith.constant 0 : i32
    return %arg0, %c0_i32 : i32, i32
  }
}

</mosaic_0001>

<sc_bundles>
// kernel: kernel.4.cloned.1.call-start
scs
__scs_entry_jumppad:
0x0: {  	(pc) =	sbr.rel $0x88, $3  }
0x1: {  	(tag) =	ssettag $0x0;
	lr =	simm.s32 $0x1  }
0x2: {  	[smem:$0x3F9F] =	sst lr;
	_ =	strace $0xD0000000  }
0x3: {  	_ = 	snop  }
0x4: {  	_ = 	snop  }
0x5: {  	_ = 	snop  }
0x6: {  	_ = 	snop  }
0x7: {  	_ = 	snop  }
__scs_overlays_trampoline_lowered:
0x8: {  	[smem:$0x3FAE] =	sst s0  }
0x9: {  	[smem:$0x3FAF] =	sst s1  }
0xa: {  	[smem:$0x3FB0] =	sst s2  }
0xb: {  	[smem:$0x3FB1] =	sst s3  }
0xc: {  	[smem:$0x3FB2] =	sst s4  }
0xd: {  	[smem:$0x3FB3] =	sst s5  }
0xe: {  	[smem:$0x3FB4] =	sst s6  }
0xf: {  	[smem:$0x3FB5] =	sst s7  }
0x10: {  	[smem:$0x3FB6] =	sst s8  }
0x11: {  	[smem:$0x3FB7] =	sst s9;
	s0 =	simm.s32 @!p0 $0x0  }
0x12: {  	s1 =	sld [smem:$0x3F9D];
	s0 =	simm.s32 @p0 $0x1  }
0x13: {  	[smem:$0x3FB8] =	sst s0;
	s0 =	simm.s32 @!p1 $0x0  }
0x14: {  	s2 =	sld [smem:$0x3F9C];
	s0 =	simm.s32 @p1 $0x1  }
0x15: {  	[smem:$0x3FB9] =	sst s0;
	s0 =	simm.s32 @!p2 $0x0  }
0x16: {  	s3 =	sld [smem:$0x3FDB];
	s0 =	simm.s32 @p2 $0x1  }
0x17: {  	s4 =	simm.s32 $0x1BF5;
	[smem:$0x3FBB] =	sst s0  }
0x18: {  	s0 =	sld [smem:$0x3F9E];
	_ =	swait.ge [sflag:s4], $0x0  }
0x19: {  	s7 =	sld [smem:$0x3F9F]  }
0x1a: {  	s8 =	sadd.s32 $0xFFFFE003, lr  }
0x1b: {  	s9 =	sadd.s32 $0xFFFFFEF7, lr;
	s5 =	simm.s32 $0xFFFFFFFF;
	p2 =	slt.u32 s8, $0xFFFFF086  }
0x1c: {  	p1 =	slt.u32 s9, $0xF7A;
	s5 =	simm.s32 @!p2 $0x0  }
0x1d: {  	s5 =	simm.s32 @p1 $0x1;
	p0 =	seq.s32 s7, s2  }
0x1e: {  	s7 =	smul.u32 @!p0 $0xF7A, s2;
	p2 =	seq.s32 @!p0 s5, $0x0  }
0x1f: {  	s9 =	smul.u32 $0xF7A, s1;
	s8 =	simm.s32 @!p0 $0x1BF5;
	p2 =	por !p2, p0  }
0x20: {  	[sflag:s8] =	ssyncset.s32 @!p0 $0xFFFFF086;
	s6 =	sadd.s32 @!p0 s3, s7;
	s7 =	simm.s32 @!p0 $0x108  }
0x21: {  	s3 =	sadd.s32 s3, s9;
	s6 =	sadd.s32 @!p0 $0x88, s6;
	s7 =	simm.s32 @p2 $0x1082  }
0x22: {  	[simem:s7], [sflag:s8] =	dma.local @!p0 [hbm:s6], $0xF7A  }
0x23: {  	s9 =	sor.u32 $0xD0000000, s2;
	s6 =	simm.s32 $0x108;
	_ =	swait.ge @!p0 [sflag:s8], $0x0  }
0x24: {  	s3 =	sadd.s32 $0x88, s3;
	s6 =	simm.s32 @!p1 $0x1082;
	[sflag:s4] =	ssyncset.s32 $0xFFFFF086  }
0x25: {  	[simem:s6], [sflag:s4] =	dma.local [hbm:s3], $0xF7A  }
0x26: {  	[smem:$0x3F9F] =	sst s1;
	(tag) =	ssettag s2;
	_ =	strace s9  }
0x27: {  	s1 =	sld [smem:$0x3FAF]  }
0x28: {  	s2 =	sld [smem:$0x3FB0]  }
0x29: {  	s4 =	sld [smem:$0x3FB2]  }
0x2a: {  	p0 =	seq.s32 s5, $0x0;
	s5 =	sld [smem:$0x3FB3]  }
0x2b: {  	s6 =	sld [smem:$0x3FB4]  }
0x2c: {  	s7 =	sld [smem:$0x3FB5]  }
0x2d: {  	s3 =	simm.s32 $0x108;
	s8 =	sld [smem:$0x3FB6]  }
0x2e: {  	s3 =	simm.s32 @!p0 $0x1082;
	s9 =	sld [smem:$0x3FB7]  }
0x2f: {  	lr =	sadd.s32 s0, s3;
	s0 =	sld [smem:$0x3FAE]  }
0x30: {  	s3 =	sld [smem:$0x3FB1]  }
0x31: {  	[smem:$0x3FBA] =	sst s10  }
0x32: {  	s10 =	sld [smem:$0x3FB8];
	_ =	sdelay $0x3  }
0x33: {  	p0 =	seq.s32 s10, $0x1;
	s10 =	sld [smem:$0x3FBA];
	_ =	sdelay $0x3  }
0x34: {  	[smem:$0x3FBA] =	sst s10  }
0x35: {  	s10 =	sld [smem:$0x3FB9];
	_ =	sdelay $0x3  }
0x36: {  	p1 =	seq.s32 s10, $0x1;
	s10 =	sld [smem:$0x3FBA];
	_ =	sdelay $0x3  }
0x37: {  	[smem:$0x3FBA] =	sst s10  }
0x38: {  	s10 =	sld [smem:$0x3FBB]  }
0x39: {  	_ = 	snop;
	(pc) =	sbr.ind lr, $3  }
0x3a: {  	_ = 	snop  }
0x3b: {  	_ = 	snop  }
0x3c: {  	p2 =	seq.s32 s10, $0x1;
	s10 =	sld [smem:$0x3FBA]  }
0x3d: {  	_ =	shalt  }
0x3e: {  	_ =	shalt  }
0x3f: {  	_ =	shalt  }
0x40: {  	_ =	shalt  }
0x41: {  	_ =	shalt  }
0x42: {  	_ =	shalt  }
0x43: {  	_ =	shalt  }
0x44: {  	_ =	shalt  }
0x45: {  	_ =	shalt  }
0x46: {  	_ =	shalt  }
0x47: {  	_ =	shalt  }
0x48: {  	_ =	shalt  }
0x49: {  	_ =	shalt  }
0x4a: {  	_ =	shalt  }
0x4b: {  	_ =	shalt  }
0x4c: {  	_ =	shalt  }
0x4d: {  	_ =	shalt  }
0x4e: {  	_ =	shalt  }
0x4f: {  	_ =	shalt  }
0x50: {  	_ =	shalt  }
0x51: {  	_ =	shalt  }
0x52: {  	_ =	shalt  }
0x53: {  	_ =	shalt  }
0x54: {  	_ =	shalt  }
0x55: {  	_ =	shalt  }
0x56: {  	_ =	shalt  }
0x57: {  	_ =	shalt  }
0x58: {  	_ =	shalt  }
0x59: {  	_ =	shalt  }
0x5a: {  	_ =	shalt  }
0x5b: {  	_ =	shalt  }
0x5c: {  	_ =	shalt  }
0x5d: {  	_ =	shalt  }
0x5e: {  	_ =	shalt  }
0x5f: {  	_ =	shalt  }
0x60: {  	_ =	shalt  }
0x61: {  	_ =	shalt  }
0x62: {  	_ =	shalt  }
0x63: {  	_ =	shalt  }
0x64: {  	_ =	shalt  }
0x65: {  	_ =	shalt  }
0x66: {  	_ =	shalt  }
0x67: {  	_ =	shalt  }
0x68: {  	_ =	shalt  }
0x69: {  	_ =	shalt  }
0x6a: {  	_ =	shalt  }
0x6b: {  	_ =	shalt  }
0x6c: {  	_ =	shalt  }
0x6d: {  	_ =	shalt  }
0x6e: {  	_ =	shalt  }
0x6f: {  	_ =	shalt  }
0x70: {  	_ =	shalt  }
0x71: {  	_ =	shalt  }
0x72: {  	_ =	shalt  }
0x73: {  	_ =	shalt  }
0x74: {  	_ =	shalt  }
0x75: {  	_ =	shalt  }
0x76: {  	_ =	shalt  }
0x77: {  	_ =	shalt  }
0x78: {  	_ =	shalt  }
0x79: {  	_ =	shalt  }
0x7a: {  	_ =	shalt  }
0x7b: {  	_ =	shalt  }
0x7c: {  	_ =	shalt  }
0x7d: {  	_ =	shalt  }
0x7e: {  	_ =	shalt  }
0x7f: {  	_ =	shalt  }
0x80: {  	_ =	shalt  }
0x81: {  	_ =	shalt  }
0x82: {  	_ =	shalt  }
0x83: {  	_ =	shalt  }
0x84: {  	_ =	shalt  }
0x85: {  	_ =	shalt  }
0x86: {  	_ =	shalt  }
0x87: {  	_ =	shalt  }
.Lfunc_end0:
.L_simem_size_0:
called_computation.1_lowered:
.L_overlay_start_0:
0x88: {  	s2 =	sld [smem:$0x3FD9]  }
0x89: {  	s3 =	sld [smem:$0x3FFE];
	_ =	sdelay $0x1  }
0x8a: {  	s1 =	srdreg.scid  }
0x8b: {  	s0 =	sand.u32 $0x1, s1  }
0x8c: {  	s17 =	sshll.u32 s0, $0xA;
	s2 =	sadd.s32 s3, s2  }
0x8d: {  	s2 =	sadd.s32 s2, s17  }
0x8e: {  	[smem:$0x3FC6] =	sst s2  }
0x8f: {  	_ = 	snop  }
0x90: {  	s2 =	sld [smem:$0x3FD0];
	(tm) =	ssettm $0x1  }
0x91: {  	s18 =	sld [smem:$0x3FFB];
	_ =	sdelay $0x3  }
0x92: {  	_ =	strace s18  }
0x93: {  	s3 =	sld [smem:$0x3FFC];
	_ =	sdelay $0x3  }
0x94: {  	_ =	strace s3  }
0x95: {  	s3 =	sld [smem:$0x3FFD];
	_ =	sdelay $0x3  }
0x96: {  	_ =	strace s3  }
0x97: {  	_ =	strace $0x8FFFFFFF  }
0x98: {  	s19 =	sld [smem:$0x3FDB];
	_ =	sdelay $0x1  }
0x99: {  	s4 =	simm.s32 $_scs_section_size  }
0x9a: {  	s5 =	simm.s32 $_size__tile_overlayer_lowered;
	s6 =	simm.s32 $_tile_overlayer_lowered  }
0x9b: {  	s22 =	simm.s32 $0x1BFF;
	s21 =	sshll.u32 s6, $0x1;
	s3 =	sadd.s32 s4, s19  }
0x9c: {  	s7 =	simm.s32 $0x0;
	s20 =	sshll.u32 s5, $0x1;
	s5 =	sadd.s32 s21, s3  }
0x9d: {  	[timem:s7], [sflag:s22] =	dma.local [hbm:s5], s20  }
0x9e: {  	_ =	swait.ge [sflag:s22], s20  }
0x9f: {  	s4 =	ssub.s32 $0x0, s20;
	[sflag:s22] =	ssyncset.done $0x0  }
0xa0: {  	[sflag:s22] =	ssyncadd.s32 s4;
	_ =	sdelay $0x1  }
0xa1: {  	s23 =	simm.s32 $0x1B8B  }
0xa2: {  	_ =	swait.ge [sflag:s23], $0x1  }
0xa3: {  	[sflag:s23] =	ssyncset.done $0x0  }
0xa4: {  	s25 =	simm.s32 $0x1B8E;
	s24 =	sld [smem:$0x3FFE];
	[sflag:s23] =	ssyncadd.s32 $0xFFFFFFFF  }
0xa5: {  	s26 =	simm.s32 $execute0_lowered;
	[smem:$0x3FD2] =	sst s25  }
0xa6: {  	s5 =	sshll.u32 s26, $0x1;
	_ =	strace $0x80000046;
	[dreg:$0x1] =	wrdreg $0xFFFFFFFF  }
0xa7: {  	s28 =	simm.s32 $_size_execute0_lowered;
	s3 =	sadd.s32 s3, s5;
	[dreg:$0x0] =	wrdreg $0x0  }
0xa8: {  	s5 =	sshll.u32 s28, $0x1;
	[dreg:$0x2] =	wrdreg s3  }
0xa9: {  	[dreg:$0x3] =	wrdreg s5  }
0xaa: {  	[dreg:$0x4] =	wrdreg $0xC0  }
0xab: {  	_ =	task [dreg:s7], $0x5FFFF  }
0xac: {  	[dreg:$0x1] =	wrdreg $0xFFFFFFFF  }
0xad: {  	[dreg:$0x0] =	wrdreg $0x60  }
0xae: {  	[dreg:$0x2] =	wrdreg s2  }
0xaf: {  	[dreg:$0x3] =	wrdreg s24  }
0xb0: {  	[dreg:$0x4] =	wrdreg $0x9  }
0xb1: {  	_ =	task.clear_ibuf [dreg:s7], $0x5FFFF;
	_ =	strace $0x90000046  }
0xb2: {  	s29 =	simm.s32 $0x9;
	_ =	strace $0x80000048  }
0xb3: {  	_ =	swait.ge [sflag:s29], $0x1  }
0xb4: {  	[sflag:s29] =	ssyncadd.s32 $0xFFFFFFFF  }
0xb5: {  	_ =	strace $0x90000048  }
0xb6: {  	_ =	sfence  }
0xb7: {  	s30 =	sld [smem:$0x0];
	_ =	sdelay $0x2  }
0xb8: {  	s31 =	sshll.u32 s1, $0xD;
	s1 =	sshrl.u32 s1, $0x2  }
0xb9: {  	s3 =	sand.u32 $0x4000, s31;
	s1 =	sadd.s32 s1, s30  }
0xba: {  	s0 =	sor.u32 s3, s0;
	s1 =	sshll.u32 s1, $0x11  }
0xbb: {  	s0 =	sor.u32 s1, s0  }
0xbc: {  	s0 =	sadd.s32 $0x8F2B, s0  }
0xbd: {  	[sflag:s0] =	ssyncadd.remote.s32 $0x1  }
0xbe: {  	_ =	sfence.sel $0xFFFF  }
0xbf: {  	[dreg:$0x0] =	wrdreg $0xFFFFFFFF;
	(pc) =	sbr.abs _section_cstart, $3  }
0xc0: {  	[dreg:$0x1] =	wrdreg $0xFFFFFFFF  }
0xc1: {  	_ =	task.clear_ibuf [dreg:s7], $0x2FFFF;
	_ =	strace $0x9FFFFFFF  }
0xc2: {  	(tm) =	ssettm $0x7FFFFFFF  }
0xc3: {  	_ =	shalt  }
tec
execute0_lowered:
.L_overlay_start_1:
0x0: {  	(tag) =	ssettag $0x1  }
0x1: {  	s1 =	srdreg.scid;
	s4 =	rddreg [dreg:$0x0]  }
0x2: {  	s0 =	stileid.u32;
	s5 =	rddreg [dreg:$0x1]  }
0x3: {  	s2 =	simm.s32 $0x0;
	s13 =	simm.s32 $0xA400;
	s14 =	simm.s32 $0xE400  }
0x4: {  	s15 =	simm.s32 $0x12400;
	s16 =	simm.s32 $0x1;
	s17 =	simm.s32 $0x6300  }
0x5: {  	s18 =	simm.s32 $0x6380;
	s19 =	simm.s32 $0x0;
	s11 =	smul.u32 $0xC8, s0  }
0x6: {  	s7 =	sand.u32 $0x1, s1;
	s1 =	rddreg [dreg:$0x2];
	s28 =	smul.u32 $0xC8000, s0  }
0x7: {  	s23 =	sshll.u32 s0, $0x1;
	[smem:$0x7FF] =	sst s2;
	s24 =	smul.u32 $0x64, s7  }
0x8: {  	s12 =	sadd.s32 $0xA00, s5;
	s3 =	sor.u32 s7, s23;
	s29 =	smul.u32 $0x64000, s7  }
0x9: {  	s8 =	ssub.s32 $0x2, s7;
	_ =	strace $0x80000047;
	s6 =	smul.u32 $0xC80, s3  }
0xa: {  	s9 =	smul.u32 $0x64000, s3;
	s10 =	sshrl.u32 s8, $0x1;
	s3 =	sadd.s32 $0xF42E00, s5  }
0xb: {  	s31 =	sadd.s32 s28, s12;
	s8 =	ssub.s32 s8, s10;
	s26 =	sadd.s32 s24, s11  }
0xc: {  	s10 =	simm.s32 $0x2;
	s11 =	simm.s32 $0x80;
	s4 =	sadd.s32 s4, s6  }
0xd: {  	s5 =	smax.u32 s8, $0x1;
	s25 =	sadd.s32 s12, s9;
	s9 =	sshll.u32 s26, $0xC  }
0xe: {  	s6 =	sadd.s32 $0x62000, s25;
	s7 =	sadd.s32 $0x63000, s25;
	s30 =	sadd.s32 s9, s12  }
0xf: {  	s9 =	sadd.s32 s29, s31;
	s12 =	simm.s32 $0x6400;
	s8 =	sadd.s32 $0x1000, s30  }
.LBB2_1:
0x10: {  	[tilespmem:s2], [sflag:$0x2] =	stream.linear.gather [hbm4b:s4+s2], $0x6400, $0x38;
	[tilespmem:$0x16400] =	vst v63  }
0x11: {  	_ =	swait.ge [sflag:s10], $0x6400  }
0x12: {  	[sflag:s10] =	ssyncset.done $0x0  }
0x13: {  	[sflag:s10] =	ssyncadd.s32 $0xFFFF9C00  }
0x14: {  	[tilespmem:s12], [sflag:$0x1] =	stream.indirect.gather [hbm4b:s3+s11], $0x80, s2, s11, $0xb8;
	[tilespmem:$0x16400] =	vst v63  }
0x15: {  	_ = 	snop  }
0x16: {  	[tilespmem:s13], [sflag:$0x1] =	stream.indirect.gather [hbm4b:s3+s11], $0x80, s11, s11, $0xb8;
	[tilespmem:$0x16400] =	vst v63  }
0x17: {  	s20 =	simm.s32 $0x100  }
0x18: {  	[tilespmem:s14], [sflag:$0x1] =	stream.indirect.gather [hbm4b:s3+s11], $0x80, s20, s11, $0xb8;
	[tilespmem:$0x16400] =	vst v63  }
0x19: {  	s29 =	simm.s32 $0x180  }
0x1a: {  	[tilespmem:s15], [sflag:$0x1] =	stream.indirect.gather [hbm4b:s3+s11], $0x80, s29, s11, $0xb8;
	[tilespmem:$0x16400] =	vst v63  }
0x1b: {  	_ =	swait.ge [sflag:s16], $0x4000  }
0x1c: {  	[sflag:s16] =	ssyncset.done $0x0  }
0x1d: {  	[sflag:s16] =	ssyncadd.s32 $0xFFFFC000  }
0x1e: {  	_ =	swait.ge [sflag:s16], $0x4000  }
0x1f: {  	[sflag:s16] =	ssyncset.done $0x0  }
0x20: {  	[sflag:s16] =	ssyncadd.s32 $0xFFFFC000  }
0x21: {  	[hbm4b:s9+s2] =	stream.linear.scatter [tilespmem:s12], [sflag:$0x2], $0x8000, $0x38;
	[tilespmem:$0x16400] =	vst v63  }
0x22: {  	_ =	swait.ge [sflag:s10], $0x8000  }
0x23: {  	[sflag:s10] =	ssyncset.done $0x0  }
0x24: {  	s30 =	simm.s32 $0x200;
	[sflag:s10] =	ssyncadd.s32 $0xFFFF8000  }
0x25: {  	[tilespmem:s12], [sflag:$0x1] =	stream.indirect.gather [hbm4b:s3+s11], $0x80, s30, s11, $0xb8;
	[tilespmem:$0x16400] =	vst v63  }
0x26: {  	s31 =	simm.s32 $0x280  }
0x27: {  	[tilespmem:s13], [sflag:$0x1] =	stream.indirect.gather [hbm4b:s3+s11], $0x80, s31, s11, $0xb8;
	[tilespmem:$0x16400] =	vst v63  }
0x28: {  	_ =	swait.ge [sflag:s16], $0x4000  }
0x29: {  	[sflag:s16] =	ssyncset.done $0x0  }
0x2a: {  	[sflag:s16] =	ssyncadd.s32 $0xFFFFC000  }
0x2b: {  	_ =	swait.ge [sflag:s16], $0x4000  }
0x2c: {  	[sflag:s16] =	ssyncset.done $0x0  }
0x2d: {  	[sflag:s16] =	ssyncadd.s32 $0xFFFFC000  }
0x2e: {  	[hbm4b:s8+s2] =	stream.linear.scatter [tilespmem:s14], [sflag:$0x2], $0x8000, $0x38;
	[tilespmem:$0x16400] =	vst v63  }
0x2f: {  	s23 =	simm.s32 $0x1000;
	s21 =	sadd.s32 $0x2000, s9;
	_ =	swait.ge [sflag:s10], $0x8000  }
0x30: {  	s22 =	simm.s32 $0x200;
	s20 =	sadd.s32 $0x2000, s8;
	[sflag:s10] =	ssyncset.done $0x0  }
.LBB2_2:
0x31: {  	s24 =	sadd.s32 $0x100, s22  }
0x32: {  	[sflag:s10] =	ssyncadd.s32 $0xFFFF8000;
	s25 =	smov.u32 s23;
	s26 =	sadd.s32 $0x800, s23  }
0x33: {  	[tilespmem:s14], [sflag:$0x1] =	stream.indirect.gather [hbm4b:s3+s11], $0x80, s24, s11, $0xb8;
	[tilespmem:$0x16400] =	vst v63  }
0x34: {  	p0 =	sne.s32 s23, $0x18000;
	s23 =	sadd.s32 $0x180, s22  }
0x35: {  	[tilespmem:s15], [sflag:$0x1] =	stream.indirect.gather [hbm4b:s3+s11], $0x80, s23, s11, $0xb8;
	[tilespmem:$0x16400] =	vst v63  }
0x36: {  	_ =	swait.ge [sflag:s16], $0x4000  }
0x37: {  	[sflag:s16] =	ssyncset.done $0x0  }
0x38: {  	[sflag:s16] =	ssyncadd.s32 $0xFFFFC000  }
0x39: {  	_ =	swait.ge [sflag:s16], $0x4000  }
0x3a: {  	[sflag:s16] =	ssyncset.done $0x0  }
0x3b: {  	[sflag:s16] =	ssyncadd.s32 $0xFFFFC000  }
0x3c: {  	[hbm4b:s21+s2] =	stream.linear.scatter [tilespmem:s12], [sflag:$0x2], $0x8000, $0x38;
	[tilespmem:$0x16400] =	vst v63  }
0x3d: {  	_ =	swait.ge [sflag:s10], $0x8000  }
0x3e: {  	[sflag:s10] =	ssyncset.done $0x0  }
0x3f: {  	s23 =	sadd.s32 $0x200, s22;
	[sflag:s10] =	ssyncadd.s32 $0xFFFF8000  }
0x40: {  	[tilespmem:s12], [sflag:$0x1] =	stream.indirect.gather [hbm4b:s3+s11], $0x80, s23, s11, $0xb8;
	[tilespmem:$0x16400] =	vst v63  }
0x41: {  	s22 =	sadd.s32 $0x280, s22  }
0x42: {  	[tilespmem:s13], [sflag:$0x1] =	stream.indirect.gather [hbm4b:s3+s11], $0x80, s22, s11, $0xb8;
	[tilespmem:$0x16400] =	vst v63  }
0x43: {  	_ =	swait.ge [sflag:s16], $0x4000  }
0x44: {  	[sflag:s16] =	ssyncset.done $0x0  }
0x45: {  	[sflag:s16] =	ssyncadd.s32 $0xFFFFC000  }
0x46: {  	_ =	swait.ge [sflag:s16], $0x4000  }
.Ltmp0:
0x47: {  	[sflag:s16] =	ssyncset.done $0x0;
	(pc) =	sbr.rel @p0 .LBB2_2-.Ltmp0, $4  }
0x48: {  	[sflag:s16] =	ssyncadd.s32 $0xFFFFC000  }
0x49: {  	[hbm4b:s20+s2] =	stream.linear.scatter [tilespmem:s14], [sflag:$0x2], $0x8000, $0x38;
	[tilespmem:$0x16400] =	vst v63  }
0x4a: {  	s21 =	sadd.s32 $0x2000, s21;
	s23 =	smov.u32 s26;
	_ =	swait.ge [sflag:s10], $0x8000  }
0x4b: {  	s22 =	sshra.s32 s25, $0x2;
	s20 =	sadd.s32 $0x2000, s20;
	[sflag:s10] =	ssyncset.done $0x0  }
0x4c: {  	s23 =	sadd.s32 $0x100, s22;
	[sflag:s10] =	ssyncadd.s32 $0xFFFF8000  }
0x4d: {  	[tilespmem:s14], [sflag:$0x1] =	stream.indirect.gather [hbm4b:s3+s11], $0x80, s23, s11, $0xb8;
	[tilespmem:$0x16400] =	vst v63  }
0x4e: {  	s29 =	sadd.s32 $0x180, s22  }
0x4f: {  	[tilespmem:s15], [sflag:$0x1] =	stream.indirect.gather [hbm4b:s3+s11], $0x80, s29, s11, $0xb8;
	[tilespmem:$0x16400] =	vst v63  }
0x50: {  	_ =	swait.ge [sflag:s16], $0x4000  }
0x51: {  	[sflag:s16] =	ssyncset.done $0x0  }
0x52: {  	[sflag:s16] =	ssyncadd.s32 $0xFFFFC000  }
0x53: {  	_ =	swait.ge [sflag:s16], $0x4000  }
0x54: {  	[sflag:s16] =	ssyncset.done $0x0  }
0x55: {  	[sflag:s16] =	ssyncadd.s32 $0xFFFFC000  }
0x56: {  	[hbm4b:s21+s2] =	stream.linear.scatter [tilespmem:s12], [sflag:$0x2], $0x8000, $0x38;
	[tilespmem:$0x16400] =	vst v63  }
0x57: {  	_ =	swait.ge [sflag:s10], $0x8000  }
0x58: {  	[sflag:s10] =	ssyncset.done $0x0  }
0x59: {  	s30 =	sadd.s32 $0x200, s22;
	[sflag:s10] =	ssyncadd.s32 $0xFFFF8000  }
0x5a: {  	[tilespmem:s12], [sflag:$0x1] =	stream.indirect.gather [hbm4b:s3+s11], $0x80, s30, s11, $0xb8;
	[tilespmem:$0x16400] =	vst v63  }
0x5b: {  	s31 =	sadd.s32 $0x280, s22  }
0x5c: {  	[tilespmem:s13], [sflag:$0x1] =	stream.indirect.gather [hbm4b:s3+s11], $0x80, s31, s11, $0xb8;
	[tilespmem:$0x16400] =	vst v63  }
0x5d: {  	_ =	swait.ge [sflag:s16], $0x4000  }
0x5e: {  	[sflag:s16] =	ssyncset.done $0x0  }
0x5f: {  	[sflag:s16] =	ssyncadd.s32 $0xFFFFC000  }
0x60: {  	_ =	swait.ge [sflag:s16], $0x4000  }
0x61: {  	[sflag:s16] =	ssyncset.done $0x0  }
0x62: {  	[sflag:s16] =	ssyncadd.s32 $0xFFFFC000  }
0x63: {  	[hbm4b:s20+s2] =	stream.linear.scatter [tilespmem:s14], [sflag:$0x2], $0x8000, $0x38;
	[tilespmem:$0x16400] =	vst v63  }
0x64: {  	_ =	swait.ge [sflag:s10], $0x8000  }
0x65: {  	[sflag:s10] =	ssyncset.done $0x0  }
0x66: {  	[sflag:s10] =	ssyncadd.s32 $0xFFFF8000  }
0x67: {  	[tilespmem:s14], [sflag:$0x1] =	stream.indirect.gather [hbm4b:s3+s11], $0x80, s17, s11, $0xb8;
	[tilespmem:$0x16400] =	vst v63  }
0x68: {  	_ = 	snop  }
0x69: {  	[tilespmem:s15], [sflag:$0x1] =	stream.indirect.gather [hbm4b:s3+s11], $0x80, s18, s11, $0xb8;
	[tilespmem:$0x16400] =	vst v63  }
0x6a: {  	_ =	swait.ge [sflag:s16], $0x4000  }
0x6b: {  	[sflag:s16] =	ssyncset.done $0x0  }
0x6c: {  	[sflag:s16] =	ssyncadd.s32 $0xFFFFC000  }
0x6d: {  	_ =	swait.ge [sflag:s16], $0x4000  }
0x6e: {  	[sflag:s16] =	ssyncset.done $0x0  }
0x6f: {  	[sflag:s16] =	ssyncadd.s32 $0xFFFFC000  }
0x70: {  	[hbm4b:s6+s2] =	stream.linear.scatter [tilespmem:s12], [sflag:$0x2], $0x8000, $0x38;
	[tilespmem:$0x16400] =	vst v63  }
0x71: {  	_ =	swait.ge [sflag:s10], $0x8000  }
0x72: {  	[sflag:s10] =	ssyncset.done $0x0  }
0x73: {  	[sflag:s10] =	ssyncadd.s32 $0xFFFF8000  }
0x74: {  	_ =	swait.ge [sflag:s16], $0x4000  }
0x75: {  	[sflag:s16] =	ssyncset.done $0x0  }
0x76: {  	[sflag:s16] =	ssyncadd.s32 $0xFFFFC000  }
0x77: {  	s19 =	sadd.s32 $0x1, s19;
	_ =	swait.ge [sflag:s16], $0x4000  }
0x78: {  	p0 =	sne.s32 s19, s5;
	[sflag:s16] =	ssyncset.done $0x0  }
.Ltmp1:
0x79: {  	[sflag:s16] =	ssyncadd.s32 $0xFFFFC000;
	(pc) =	sbr.rel @p0 .LBB2_1-.Ltmp1, $4  }
0x7a: {  	[hbm4b:s7+s2] =	stream.linear.scatter [tilespmem:s14], [sflag:$0x2], $0x8000, $0x38;
	[tilespmem:$0x16400] =	vst v63  }
0x7b: {  	_ =	swait.ge [sflag:s10], $0x8000  }
0x7c: {  	[sflag:s10] =	ssyncset.done $0x0  }
0x7d: {  	[sflag:s10] =	ssyncadd.s32 $0xFFFF8000  }
0x7e: {  	_ =	sfence.sel $0x180000  }
0x7f: {  	[bflag:$0x0] =	sbarrier.arrive $0xFFFF  }
0x80: {  	p0 =	sne.s32 s0, $0x0;
	_ =	strace $0x90000047  }
0x81: {  	s0 =	sadd.s32 @!p0 $0x100000, s1;
	[bflag:$0x2] =	sbarrier.arrive $0xFFFF  }
0x82: {  	[sflag:s0] =	ssyncadd.tile.s32 @!p0 $0x1;
	_ =	shalt  }
.Lfunc_end2:
_tile_overlayer_lowered:
.L_overlay_start_2:
0x83: {  	(tag) =	ssettag $0x2  }
0x84: {  	s0 =	rddreg [dreg:$0x0];
	s2 =	stileid.u32  }
0x85: {  	s1 =	rddreg [dreg:$0x1];
	p0 =	sne.s32 s2, $0x0  }
0x86: {  	s3 =	rddreg [dreg:$0x2];
	[bflag:$0x3] =	sbarrier.arrive $0xFFFF;
	s2 =	simm.s32 @!p0 $0x1C02  }
0x87: {  	[timem:s3], [sflag:s2] =	dma.local @!p0 [hbm:s0], s1  }
0x88: {  	s0 =	simm.s32 @!p0 $0x2  }
0x89: {  	_ =	swait.ge @!p0 [sflag:s0], s1  }
0x8a: {  	s1 =	ssub.s32 @!p0 $0x0, s1;
	[sflag:s0] =	ssyncset.done @!p0 $0x0  }
0x8b: {  	[sflag:s0] =	ssyncadd.s32 @!p0 s1  }
0x8c: {  	[bflag:$0x3] =	sbarrier.arrive $0xFFFF  }
0x8d: {  	_ =	shalt  }

// kernel: sparse-core-data-format-call.cloned.1.call-start
scs
called_computation_lowered:
.L_overlay_start_0:
0x0: {  	s2 =	sld [smem:$0x3FD9]  }
0x1: {  	s3 =	sld [smem:$0x3FFE];
	_ =	sdelay $0x1  }
0x2: {  	s1 =	srdreg.scid  }
0x3: {  	s0 =	sand.u32 $0x1, s1  }
0x4: {  	s18 =	sshll.u32 s0, $0xA;
	s2 =	sadd.s32 s3, s2  }
0x5: {  	s2 =	sadd.s32 s2, s18  }
0x6: {  	[smem:$0x3FC6] =	sst s2  }
0x7: {  	_ = 	snop  }
0x8: {  	s2 =	sld [smem:$0x3FD0];
	(tm) =	ssettm $0x1  }
0x9: {  	s19 =	sld [smem:$0x3FFB];
	_ =	sdelay $0x3  }
0xa: {  	_ =	strace s19  }
0xb: {  	s3 =	sld [smem:$0x3FFC];
	_ =	sdelay $0x3  }
0xc: {  	_ =	strace s3  }
0xd: {  	s3 =	sld [smem:$0x3FFD];
	_ =	sdelay $0x3  }
0xe: {  	_ =	strace s3  }
0xf: {  	_ =	strace $0x8FFFFFFF  }
0x10: {  	s20 =	sld [smem:$0x3FDB];
	_ =	sdelay $0x1  }
0x11: {  	s4 =	simm.s32 $_scs_section_size  }
0x12: {  	s5 =	simm.s32 $_size__tile_overlayer_lowered;
	s6 =	simm.s32 $_tile_overlayer_lowered  }
0x13: {  	s23 =	simm.s32 $0x1BFF;
	s22 =	sshll.u32 s6, $0x1;
	s3 =	sadd.s32 s4, s20  }
0x14: {  	s7 =	simm.s32 $0x0;
	s21 =	sshll.u32 s5, $0x1;
	s5 =	sadd.s32 s22, s3  }
0x15: {  	[timem:s7], [sflag:s23] =	dma.local [hbm:s5], s21  }
0x16: {  	_ =	swait.ge [sflag:s23], s21  }
0x17: {  	s4 =	ssub.s32 $0x0, s21;
	[sflag:s23] =	ssyncset.done $0x0  }
0x18: {  	[sflag:s23] =	ssyncadd.s32 s4;
	_ =	sdelay $0x1  }
0x19: {  	s24 =	simm.s32 $0x1B8B  }
0x1a: {  	_ =	swait.ge [sflag:s24], $0x1  }
0x1b: {  	[sflag:s24] =	ssyncset.done $0x0  }
0x1c: {  	s26 =	simm.s32 $0x1B8E;
	s25 =	sld [smem:$0x3FFE];
	[sflag:s24] =	ssyncadd.s32 $0xFFFFFFFF  }
0x1d: {  	s27 =	simm.s32 $execute0_lowered;
	[smem:$0x3FD2] =	sst s26  }
0x1e: {  	s5 =	sshll.u32 s27, $0x1;
	_ =	strace $0x80000049;
	[dreg:$0x1] =	wrdreg $0xFFFFFFFF  }
0x1f: {  	s28 =	simm.s32 $_size_execute0_lowered;
	s3 =	sadd.s32 s3, s5;
	[dreg:$0x0] =	wrdreg $0x0  }
0x20: {  	s5 =	sshll.u32 s28, $0x1;
	[dreg:$0x2] =	wrdreg s3  }
0x21: {  	[dreg:$0x3] =	wrdreg s5  }
0x22: {  	[dreg:$0x4] =	wrdreg $0xC0  }
0x23: {  	_ =	task [dreg:s7], $0x5FFFF  }
0x24: {  	[dreg:$0x1] =	wrdreg $0xFFFFFFFF  }
0x25: {  	[dreg:$0x0] =	wrdreg $0x60  }
0x26: {  	[dreg:$0x2] =	wrdreg s25  }
0x27: {  	[dreg:$0x3] =	wrdreg s2  }
0x28: {  	[dreg:$0x4] =	wrdreg $0x9  }
0x29: {  	_ =	task.clear_ibuf [dreg:s7], $0x5FFFF;
	_ =	strace $0x90000049  }
0x2a: {  	s29 =	simm.s32 $0x9;
	_ =	strace $0x8000004B  }
0x2b: {  	_ =	swait.ge [sflag:s29], $0x1  }
0x2c: {  	[sflag:s29] =	ssyncadd.s32 $0xFFFFFFFF  }
0x2d: {  	_ =	strace $0x9000004B  }
0x2e: {  	_ =	sfence  }
0x2f: {  	s30 =	sld [smem:$0x0];
	_ =	sdelay $0x2  }
0x30: {  	s31 =	sshll.u32 s1, $0xD;
	s1 =	sshrl.u32 s1, $0x2  }
0x31: {  	s3 =	sand.u32 $0x4000, s31;
	s1 =	sadd.s32 s1, s30  }
0x32: {  	s0 =	sor.u32 s3, s0;
	s1 =	sshll.u32 s1, $0x11  }
0x33: {  	s0 =	sor.u32 s1, s0  }
0x34: {  	s0 =	sadd.s32 $0x8F2B, s0  }
0x35: {  	[sflag:s0] =	ssyncadd.remote.s32 $0x1  }
0x36: {  	_ =	sfence.sel $0xFFFF  }
0x37: {  	[dreg:$0x0] =	wrdreg $0xFFFFFFFF;
	(pc) =	sbr.abs _section_cstart, $3  }
0x38: {  	[dreg:$0x1] =	wrdreg $0xFFFFFFFF  }
0x39: {  	_ =	task.clear_ibuf [dreg:s7], $0x2FFFF;
	_ =	strace $0x9FFFFFFF  }
0x3a: {  	(tm) =	ssettm $0x7FFFFFFF  }
0x3b: {  	_ =	shalt  }
tec
execute0_lowered:
.L_overlay_start_1:
0x0: {  	(tag) =	ssettag $0x1  }
0x1: {  	s0 =	srdreg.scid  }
0x2: {  	s1 =	sshll.u32 s0, $0x4  }
0x3: {  	s6 =	rddreg [dreg:$0x0];
	s0 =	stileid.u32;
	s1 =	sand.u32 $0x10, s1  }
0x4: {  	s3 =	rddreg [dreg:$0x1];
	s1 =	sor.u32 s0, s1  }
0x5: {  	s5 =	simm.s32 $0x1;
	s31 =	simm.s32 $0x2;
	s2 =	sshll.u32 s1, $0x7  }
0x6: {  	s15 =	simm.s32 $0x0;
	s8 =	simm.s32 $0x20000;
	s4 =	ssub.s32 $0x4000, s2  }
0x7: {  	s14 =	simm.s32 $0x0;
	s9 =	simm.s32 $0x0;
	s30 =	sand.u32 $0xF80, s4  }
0x8: {  	s10 =	simm.s32 $0x0;
	s11 =	simm.s32 $0x0;
	p0 =	sne.s32 s30, $0x0  }
.Ltmp0:
0x9: {  	s7 =	sshrl.u32 s4, $0xC;
	s5 =	simm.s32 @!p0 $0x0;
	(pc) =	sbr.rel .LBB1_1-.Ltmp0, $4  }
0xa: {  	s13 =	simm.s32 $0x0;
	s1 =	rddreg [dreg:$0x2];
	s5 =	sadd.s32 s5, s7  }
0xb: {  	_ =	strace $0x8000004A;
	s4 =	simm.s32 $0x1;
	s5 =	smul.u32 $0x32, s5  }
0xc: {  	s6 =	sadd.s32 $0xC80A00, s6;
	s12 =	smov.u32 s2;
	[sflag:s4] =	ssyncpa.u1 $0x0  }
0xd: {  	[sflag:s31] =	ssyncpa.u1 $0x0;
	p0 =	por $0x0, $0x0;
	s7 =	sor.u32 $0x1, s5  }
.LBB1_4:
0xe: {  	s20 =	sshra.s32 s20, $0x2;
	s28 =	sshll.u32 s10, $0x3;
	p1 =	sgt.s32 s9, $0x31  }
0xf: {  	s21 =	smov.u32 s9;
	s23 =	sshra.s32 s9, $0x1F;
	s24 =	smov.u32 s10  }
0x10: {  	v5 =	vld [tilespmem:s17+$0xFFFFFFD0];
	[tilespmem:s18+$0x2040 ss:$0x81] =	vst.msk $0xffff, v4;
	s25 =	sshra.s32 s10, $0x1F;
	s26 =	sand.u32 $0x78, s10;
	s19 =	sadd.s32 s20, s19  }
0x11: {  	v58 =	vld [tilespmem:s17+$0xFFFFFFE0];
	[tilespmem:s18+$0x2850 ss:$0x81] =	vst.msk $0xffff, v3;
	s22 =	sshrl.u32 s28, $0xE;
	s21 =	simm.s32 @!p1 $0x31;
	s23 =	sand.u32 s23, s9  }
0x12: {  	v59 =	vld [tilespmem:s17+$0xFFFFFFF0];
	[tilespmem:s18+$0x3060 ss:$0x81] =	vst.msk $0xffff, v2;
	p1 =	sgt.s32 s10, $0x3F80;
	s29 =	sand.u32 s25, s10;
	s20 =	sand.u32 $0x3C00, s28  }
0x13: {  	v60 =	vld [tilespmem:s17+$0x0];
	[tilespmem:s18+$0x0 ss:$0x81] =	vst.msk $0xffff, v0;
	s28 =	smul.u32 $0x24000, s9;
	s21 =	ssub.s32 s21, s23;
	s24 =	simm.s32 @!p1 $0x3F80  }
0x14: {  	v61 =	vld [tilespmem:s17+$0x10];
	s30 =	smulhi.u32 $0x38E38E4, s22;
	[tilespmem:s19+$0x3870 ss:$0x81] =	vst.msk $0xffff, v1;
	s20 =	sor.u32 s26, s20;
	s31 =	ssub.s32 $0x32, s21  }
0x15: {  	v62 =	vld [tilespmem:s17+$0x20];
	s23 =	ssub.s32 s24, s29;
	s21 =	sadd.s32 $0xFFFFFFCF, s21;
	s25 =	smul.u32 $0x48, s31;
	[tilespmem:s19+$0x810 ss:$0x81] =	vst.msk $0xffff, v5  }
0x16: {  	v63 =	vld [tilespmem:s17+$0xFFFFFFC0];
	s18 =	smul.u32 $0x48, s30;
	p1 =	sgt.s32 s21, $0x0;
	s27 =	sadd.s32 $0xFFFFC080, s23;
	[tilespmem:s19+$0x1020 ss:$0x81] =	vst.msk $0xffff, v58  }
0x17: {  	s17 =	ssub.s32 $0x4000, s23;
	[tilespmem:s19+$0x1830 ss:$0x81] =	vst.msk $0xffff, v59;
	s25 =	simm.s32 @p1 $0x0;
	p1 =	sgt.s32 s27, $0x7F  }
0x18: {  	s29 =	sand.u32 $0x7, s10;
	[tilespmem:s19+$0x2040 ss:$0x81] =	vst.msk $0xffff, v60;
	s18 =	ssub.s32 s22, s18;
	s17 =	simm.s32 @p1 $0x0  }
0x19: {  	s21 =	sadd.s32 s3, s28;
	[tilespmem:s19+$0x2850 ss:$0x81] =	vst.msk $0xffff, v61;
	s18 =	sshll.u32 s18, $0xB;
	s17 =	smul.u32 s17, s25  }
0x1a: {  	s20 =	sshrl.u32 s20, $0x3;
	s30 =	sshll.u32 s29, $0x12;
	[tilespmem:s19+$0x3060 ss:$0x81] =	vst.msk $0xffff, v62;
	s18 =	sadd.s32 s18, s21  }
0x1b: {  	[tilespmem:s19+$0x0 ss:$0x81] =	vst.msk $0xffff, v63;
	s31 =	sor.u32 $0x400, s30;
	s18 =	sadd.s32 s20, s18;
	s17 =	sand.u32 $0x3FFFFFF8, s17  }
0x1c: {  	[hbm4b:s18+s31] =	stream.strided.scatter [tilespmem:s16], [sflag:$0x2], s17, s8, s31, $0x20;
	[tilespmem:$0x10100] =	vst v63  }
.LBB1_5:
0x1d: {  	p1 =	slt.u32 s13, $0x2  }
0x1e: {  	s17 =	smov.u32 s15;
	p2 =	sgt.s32 @!p1 s15, $0x31;
	s16 =	sshra.s32 @!p1 s15, $0x1F  }
0x1f: {  	p3 =	sgt.s32 @!p1 s14, $0x3F80;
	s18 =	sshra.s32 @!p1 s14, $0x1F;
	p2 =	por !p2, p1  }
0x20: {  	s15 =	sand.u32 @!p1 s16, s15;
	p3 =	por !p3, p1;
	s16 =	smov.u32 s14  }
0x21: {  	s14 =	sand.u32 @!p1 s18, s14;
	s17 =	simm.s32 @p2 $0x31;
	s16 =	simm.s32 @p3 $0x3F80  }
0x22: {  	s18 =	smov.u32 s12;
	s15 =	ssub.s32 @!p1 s17, s15;
	s14 =	ssub.s32 @!p1 s16, s14  }
0x23: {  	s16 =	sadd.s32 @!p1 $0xFFFFFFCF, s15;
	s15 =	ssub.s32 @!p1 $0x32, s15;
	s17 =	sadd.s32 @!p1 $0xFFFFC080, s14  }
0x24: {  	p2 =	sgt.s32 @!p1 s16, $0x0;
	s15 =	smul.u32 @!p1 $0x48, s15;
	p3 =	sgt.s32 @!p1 s17, $0x7F  }
0x25: {  	s14 =	ssub.s32 @!p1 $0x4000, s14;
	p2 =	por !p2, p1;
	p3 =	por !p3, p1  }
0x26: {  	s16 =	sadd.s32 $0x1, s11;
	s15 =	simm.s32 @!p2 $0x0;
	s14 =	simm.s32 @!p3 $0x0  }
0x27: {  	p2 =	sgt.s32 s16, $0x31;
	s14 =	smul.u32 @!p1 s14, s15;
	s15 =	sadd.s32 $0x1000, s12  }
0x28: {  	s18 =	smov.u32 @p2 s15  }
0x29: {  	s16 =	simm.s32 @p2 $0x0;
	p2 =	sgt.s32 s18, $0x3FFF  }
0x2a: {  	s18 =	smov.u32 @p2 s2;
	p2 =	sne.s32 s13, s7  }
.Ltmp1:
0x2b: {  	p0 =	por !p0, !p0;
	s17 =	simm.s32 @!p1 $0x2;
	(pc) =	sbr.rel @!p2 .LBB1_6-.Ltmp1, $4  }
0x2c: {  	s15 =	smov.u32 s9;
	s9 =	smov.u32 s11;
	s14 =	sand.u32 @!p1 $0x3FFFFFF8, s14  }
0x2d: {  	s11 =	smov.u32 s16;
	_ =	swait.ge @!p1 [sflag:s17], s14;
	s19 =	ssub.s32 @!p1 $0x0, s14  }
0x2e: {  	s14 =	smov.u32 s10;
	s13 =	sadd.s32 $0x1, s13;
	[sflag:s17] =	ssyncset.done @!p1 $0x0  }
0x2f: {  	s10 =	smov.u32 s12;
	s12 =	smov.u32 s18;
	[sflag:s17] =	ssyncadd.s32 @!p1 s19  }
.LBB1_1:
0x30: {  	p1 =	sge.u32 s13, s5  }
0x31: {  	s16 =	sand.u32 @!p1 $0x1FFFFFF, s11  }
0x32: {  	s17 =	smulhi.u32 @!p1 $0x4924925, s16;
	_ =	sdelay $0x1  }
0x33: {  	s17 =	smul.u32 @!p1 $0x38, s17  }
0x34: {  	s18 =	sxor.u32 @!p1 $0xFFFFFFFF, s13;
	s19 =	smul.u32 @!p1 $0x380, s12  }
0x35: {  	s31 =	sadd.s32 $0xFFFFFFFF, s13;
	s18 =	sshll.u32 @!p1 s18, $0xE;
	s16 =	ssub.s32 @!p1 s16, s17  }
0x36: {  	s17 =	sand.u32 @!p1 $0x4000, s18;
	s18 =	sadd.s32 @!p1 s6, s19;
	s16 =	sshll.u32 @!p1 s16, $0x4  }
0x37: {  	s19 =	simm.s32 @!p1 $0x1C00;
	s16 =	sadd.s32 @!p1 s16, s18;
	s18 =	simm.s32 @!p1 $0x80  }
0x38: {  	[tilespmem:s17], [sflag:$0x1] =	stream.strided.gather @!p1 [hbm4b:s16+s18], $0x4000, s19, s18, $0x38;
	[tilespmem:$0x10100] =	vst v63  }
0x39: {  	p1 =	sge.u32 s31, s5  }
.Ltmp2:
0x3a: {  	_ = 	snop;
	(pc) =	sbr.rel @p1 .LBB1_5-.Ltmp2, $1  }
0x3b: {  	_ =	sdelay $0x3  }
0x3c: {  	s16 =	simm.s32 $0x1  }
0x3d: {  	_ =	swait.ge [sflag:s4], $0x4000;
	s16 =	simm.s32 @!p0 $0x0  }
0x3e: {  	[sflag:s4] =	ssyncset.done $0x0;
	s17 =	sshll.u32 s16, $0xE  }
0x3f: {  	[sflag:s4] =	ssyncadd.s32 $0xFFFFC000;
	s17 =	sor.u32 $0x40, s17  }
0x40: {  	s16 =	smul.u32 $0x10200, s16;
	v0 =	vld [tilespmem:s17+$0x30]  }
0x41: {  	v1 =	vld [tilespmem:s17+$0xFFFFFFD0]  }
0x42: {  	s16 =	sshrl.u32 s16, $0x2;
	v5 =	vld [tilespmem:s17+$0xFFFFFFE0]  }
0x43: {  	v6 =	vld [tilespmem:s17+$0xFFFFFFF0];
	s19 =	sor.u32 $0x8000, s16  }
0x44: {  	s31 =	sand.u32 $0x1, s13;
	v4 =	vld [tilespmem:s17+$0x0];
	s18 =	sadd.s32 $0x0, s19  }
0x45: {  	v3 =	vld [tilespmem:s17+$0x10];
	s16 =	smul.u32 $0x10200, s31;
	[tilespmem:s18+$0x3870 ss:$0x81] =	vst.msk $0xffff, v0  }
0x46: {  	v2 =	vld [tilespmem:s17+$0x20];
	[tilespmem:s18+$0x810 ss:$0x81] =	vst.msk $0xffff, v1  }
0x47: {  	s16 =	sshrl.u32 s16, $0x2;
	v0 =	vld [tilespmem:s17+$0xFFFFFFC0];
	[tilespmem:s18+$0x1020 ss:$0x81] =	vst.msk $0xffff, v5;
	s17 =	sadd.s32 $0x80, s17  }
0x48: {  	s20 =	simm.s32 $0x4;
	s21 =	simm.s32 $0x8;
	s16 =	sor.u32 $0x8000, s16;
	[tilespmem:s18+$0x1830 ss:$0x81] =	vst.msk $0xffff, v6;
	v1 =	vld [tilespmem:s17+$0x30]  }
.LBB1_3:
0x49: {  	p1 =	sne.s32 s21, $0x1FC;
	v5 =	vld [tilespmem:s17+$0xFFFFFFD0];
	[tilespmem:s18+$0x2040 ss:$0x81] =	vst.msk $0xffff, v4  }
0x4a: {  	v6 =	vld [tilespmem:s17+$0xFFFFFFE0];
	[tilespmem:s18+$0x2850 ss:$0x81] =	vst.msk $0xffff, v3  }
0x4b: {  	s22 =	sshra.s32 s20, $0x2;
	s20 =	smov.u32 s21;
	v7 =	vld [tilespmem:s17+$0xFFFFFFF0];
	[tilespmem:s18+$0x3060 ss:$0x81] =	vst.msk $0xffff, v2  }
.Ltmp3:
0x4c: {  	v4 =	vld [tilespmem:s17+$0x0];
	[tilespmem:s18+$0x0 ss:$0x81] =	vst.msk $0xffff, v0;
	s18 =	sadd.s32 s22, s19;
	(pc) =	sbr.rel @p1 .LBB1_3-.Ltmp3, $4  }
0x4d: {  	v3 =	vld [tilespmem:s17+$0x10];
	[tilespmem:s18+$0x3870 ss:$0x81] =	vst.msk $0xffff, v1  }
0x4e: {  	[tilespmem:s18+$0x810 ss:$0x81] =	vst.msk $0xffff, v5;
	v2 =	vld [tilespmem:s17+$0x20]  }
0x4f: {  	v0 =	vld [tilespmem:s17+$0xFFFFFFC0];
	[tilespmem:s18+$0x1020 ss:$0x81] =	vst.msk $0xffff, v6;
	s17 =	sadd.s32 $0x80, s17  }
0x50: {  	s21 =	sadd.s32 $0x4, s21;
	v1 =	vld [tilespmem:s17+$0x30];
	[tilespmem:s18+$0x1830 ss:$0x81] =	vst.msk $0xffff, v7  }
.Ltmp4:
0x51: {  	_ = 	snop;
	(pc) =	sbr.rel .LBB1_4-.Ltmp4, $1  }
0x52: {  	_ =	sdelay $0x3  }
.LBB1_6:
0x53: {  	_ =	sfence.sel $0x180000  }
0x54: {  	s2 =	simm.s32 $0x1;
	[bflag:$0x0] =	sbarrier.arrive $0xFFFF  }
0x55: {  	s31 =	simm.s32 $0x2;
	[sflag:s2] =	ssyncpa.u1 $0x1  }
0x56: {  	[sflag:s31] =	ssyncpa.u1 $0x1  }
0x57: {  	p0 =	sne.s32 s0, $0x0;
	_ =	strace $0x9000004A  }
0x58: {  	s0 =	sadd.s32 @!p0 $0x100000, s1;
	[bflag:$0x2] =	sbarrier.arrive $0xFFFF  }
0x59: {  	[sflag:s0] =	ssyncadd.tile.s32 @!p0 $0x1;
	_ =	shalt  }
.Lfunc_end1:
_tile_overlayer_lowered:
.L_overlay_start_2:
0x5a: {  	(tag) =	ssettag $0x2  }
0x5b: {  	s0 =	rddreg [dreg:$0x0];
	s2 =	stileid.u32  }
0x5c: {  	s1 =	rddreg [dreg:$0x1];
	p0 =	sne.s32 s2, $0x0  }
0x5d: {  	s3 =	rddreg [dreg:$0x2];
	[bflag:$0x3] =	sbarrier.arrive $0xFFFF;
	s2 =	simm.s32 @!p0 $0x1C01  }
0x5e: {  	[timem:s3], [sflag:s2] =	dma.local @!p0 [hbm:s0], s1  }
0x5f: {  	s0 =	simm.s32 @!p0 $0x1  }
0x60: {  	_ =	swait.ge @!p0 [sflag:s0], s1  }
0x61: {  	s1 =	ssub.s32 @!p0 $0x0, s1;
	[sflag:s0] =	ssyncset.done @!p0 $0x0  }
0x62: {  	[sflag:s0] =	ssyncadd.s32 @!p0 s1  }
0x63: {  	[bflag:$0x3] =	sbarrier.arrive $0xFFFF  }
0x64: {  	_ =	shalt  }

</sc_bundles>
